<compile_context>
chip_gen: v7x
topology: tpu7x:2x2x1
jax: 0.10.2.dev20260603
libtpu: 0.0.44.dev20260713+nightly
codegen_flags: <defaults>
</compile_context>

<pallas_src>
import jax
import jax.numpy as jnp
from jax import lax
from jax.experimental import pallas as pl
from jax.experimental.pallas import tpu as pltpu
from jax.experimental.pallas import tpu_sc as plsc

EMBED = 64
NC, NS = 2, 16
NW = NC * NS
CHUNK = 512
NBUF = 2


def _gather_body(table_hbm, idx_hbm, out_hbm, idx_v, rows_v, *sems):
    idx_sems = sems[0:NBUF]
    gat_sems = sems[NBUF:2 * NBUF]
    out_sems = sems[2 * NBUF:3 * NBUF]
    wid = lax.axis_index("s") * NC + lax.axis_index("c")
    n = idx_hbm.shape[0]
    npw = n // NW
    nchunks = npw // CHUNK
    base0 = wid * npw

    def idx_src(ci):
        return idx_hbm.at[pl.ds(base0 + ci * CHUNK, CHUNK)]

    def out_dst(ci):
        return out_hbm.at[pl.ds(base0 + ci * CHUNK, CHUNK)]

    for b in range(NBUF):
        pltpu.async_copy(idx_src(b), idx_v.at[b], idx_sems[b])

    @pl.loop(0, nchunks, step=NBUF)
    def _step(i):
        for b in range(NBUF):
            ci = i + b

            @pl.when(ci >= NBUF)
            def _():
                pltpu.make_async_copy(rows_v.at[b], out_dst(ci), out_sems[b]).wait()

            pltpu.make_async_copy(idx_src(ci), idx_v.at[b], idx_sems[b]).wait()

            pltpu.async_copy(
                table_hbm.at[idx_v.at[b]], rows_v.at[b], gat_sems[b]
            ).wait()

            @pl.when(ci + NBUF < nchunks)
            def _():
                pltpu.async_copy(idx_src(ci + NBUF), idx_v.at[b], idx_sems[b])

            pltpu.async_copy(rows_v.at[b], out_dst(ci), out_sems[b])

    for b in range(NBUF):
        pltpu.make_async_copy(
            rows_v.at[b], out_dst(nchunks - NBUF + b), out_sems[b]
        ).wait()


def kernel(seq, table):
    b, s = seq.shape
    n = b * s
    idx = seq.reshape(n)
    mesh = plsc.VectorSubcoreMesh(core_axis_name="c", subcore_axis_name="s")
    run = pl.kernel(
        _gather_body,
        out_type=jax.ShapeDtypeStruct((n, EMBED), jnp.float32),
        mesh=mesh,
        scratch_types=[
            pltpu.VMEM((NBUF, CHUNK), jnp.int32),
            pltpu.VMEM((NBUF, CHUNK, EMBED), jnp.float32),
        ] + [pltpu.SemaphoreType.DMA] * (3 * NBUF),
        compiler_params=pltpu.CompilerParams(use_tc_tiling_on_sc=False),
    )
    out = run(table, idx)
    return out.reshape(b, s, EMBED)

# --- scband reference (transcript-rebuilt; emitter-appended) ---
"""Pipeline reference for scband-word2-vec-13907104104663 (READ-ONLY COPY).

The authoritative reference and input builder live on the scoring server;
editing this copy changes nothing except your own understanding.
"""

import jax, jax.numpy as jnp
import numpy as np

VOCAB = 1000000
EMBED_DIM = 64
BATCH = 4096
SEQ_LEN = 200

def setup_inputs(seed: int = 0) -> dict:
    key = jax.random.key(seed)
    k1, k2 = jax.random.split(key)
    seq = jax.random.randint(k1, (BATCH, SEQ_LEN), 0, VOCAB, dtype=jnp.int64 if jax.config.jax_enable_x64 else jnp.int32).astype(jnp.int32)
    table = jax.random.normal(k2, (VOCAB, EMBED_DIM), dtype=jnp.float32)
    return {"seq": seq, "table": table}

def reference(seq, table):
    # nn.Embedding.from_pretrained(vocab.vectors)(seq) -> pure row gather
    return jnp.take(table, seq, axis=0)

if __name__ == "__main__":
    import jax
    _d = setup_inputs()
    print(jax.jit(kernel)(*tuple(_d.values())))

</pallas_src>

<mosaic_0001>
#map = affine_map<(d0, d1) -> (0, 0)>
#map1 = affine_map<(d0, d1) -> (0)>
module attributes {stable_mosaic.version = 14 : i64} {
  func.func @_gather_body(%arg0: i32, %arg1: i32, %arg2: memref<1000000x64xf32, #tpu.memory_space<hbm>>, %arg3: memref<819200xi32, #tpu.memory_space<hbm>>, %arg4: memref<819200x64xf32, #tpu.memory_space<hbm>>, %arg5: memref<2x512xi32, #tpu.memory_space<vmem>>, %arg6: memref<2x512x64xf32, #tpu.memory_space<vmem>>, %arg7: memref<!tpu.dma_semaphore, #tpu.memory_space<semaphore_mem>>, %arg8: memref<!tpu.dma_semaphore, #tpu.memory_space<semaphore_mem>>, %arg9: memref<!tpu.dma_semaphore, #tpu.memory_space<semaphore_mem>>, %arg10: memref<!tpu.dma_semaphore, #tpu.memory_space<semaphore_mem>>, %arg11: memref<!tpu.dma_semaphore, #tpu.memory_space<semaphore_mem>>, %arg12: memref<!tpu.dma_semaphore, #tpu.memory_space<semaphore_mem>>) attributes {dimension_semantics = [#tpu.dimension_semantics<core_parallel>, #tpu.dimension_semantics<subcore_parallel>], iteration_bounds = array<i64: 2, 16>, scalar_prefetch = 0 : i64, scratch_operands = 8 : i64, tpu.core_type = #tpu.core_type<sc_vector_subcore>, window_params = [{transform_indices = #map}, {transform_indices = #map1}, {transform_indices = #map}]} {
    %mul3A = arith.constant 2 : i32
    %mul3A_0 = arith.muli %arg1, %mul3A : i32
    %add3A = arith.addi %mul3A_0, %arg0 : i32
    %mul3A_1 = arith.constant 25600 : i32
    %mul3A_2 = arith.muli %add3A, %mul3A_1 : i32
    %add3A_3 = arith.constant 0 : i32
    %add3A_4 = arith.addi %mul3A_2, %add3A_3 : i32
    %dma_start3A = arith.constant 0 : i32
    %dma_start3A_5 = arith.constant 0 : i32
    %dma_start3A_6 = tpu.memref_slice %arg5[%dma_start3A, %dma_start3A_5] : memref<2x512xi32, #tpu.memory_space<vmem>> -> memref<1x512xi32, #tpu.memory_space<vmem>>
    %dma_start3A_7 = tpu.memref_squeeze %dma_start3A_6 : memref<1x512xi32, #tpu.memory_space<vmem>> -> memref<512xi32, #tpu.memory_space<vmem>>
    %dma_start3A_8 = tpu.memref_slice %arg3[%add3A_4] : memref<819200xi32, #tpu.memory_space<hbm>> -> memref<512xi32, #tpu.memory_space<hbm>>
    %dma_start3A_9 = arith.constant 0 : i32
    %dma_start3A_10 = tpu.memref_slice %arg5[%dma_start3A, %dma_start3A_9] : memref<2x512xi32, #tpu.memory_space<vmem>> -> memref<1x512xi32, #tpu.memory_space<vmem>>
    %dma_start3A_11 = tpu.memref_squeeze %dma_start3A_10 : memref<1x512xi32, #tpu.memory_space<vmem>> -> memref<512xi32, #tpu.memory_space<vmem>>
    %dma_start3A_12 = tpu.memref_slice %arg3[%add3A_4] : memref<819200xi32, #tpu.memory_space<hbm>> -> memref<512xi32, #tpu.memory_space<hbm>>
    tpu.enqueue_dma source(%dma_start3A_12 : memref<512xi32, #tpu.memory_space<hbm>>) target(%dma_start3A_11 : memref<512xi32, #tpu.memory_space<vmem>>) target_semaphore(%arg7 : memref<!tpu.dma_semaphore, #tpu.memory_space<semaphore_mem>>)
    %add3A_13 = arith.constant 512 : i32
    %add3A_14 = arith.addi %mul3A_2, %add3A_13 : i32
    %dma_start3A_15 = arith.constant 1 : i32
    %dma_start3A_16 = arith.constant 0 : i32
    %dma_start3A_17 = tpu.memref_slice %arg5[%dma_start3A_15, %dma_start3A_16] : memref<2x512xi32, #tpu.memory_space<vmem>> -> memref<1x512xi32, #tpu.memory_space<vmem>>
    %dma_start3A_18 = tpu.memref_squeeze %dma_start3A_17 : memref<1x512xi32, #tpu.memory_space<vmem>> -> memref<512xi32, #tpu.memory_space<vmem>>
    %dma_start3A_19 = tpu.memref_slice %arg3[%add3A_14] : memref<819200xi32, #tpu.memory_space<hbm>> -> memref<512xi32, #tpu.memory_space<hbm>>
    %dma_start3A_20 = arith.constant 0 : i32
    %dma_start3A_21 = tpu.memref_slice %arg5[%dma_start3A_15, %dma_start3A_20] : memref<2x512xi32, #tpu.memory_space<vmem>> -> memref<1x512xi32, #tpu.memory_space<vmem>>
    %dma_start3A_22 = tpu.memref_squeeze %dma_start3A_21 : memref<1x512xi32, #tpu.memory_space<vmem>> -> memref<512xi32, #tpu.memory_space<vmem>>
    %dma_start3A_23 = tpu.memref_slice %arg3[%add3A_14] : memref<819200xi32, #tpu.memory_space<hbm>> -> memref<512xi32, #tpu.memory_space<hbm>>
    tpu.enqueue_dma source(%dma_start3A_23 : memref<512xi32, #tpu.memory_space<hbm>>) target(%dma_start3A_22 : memref<512xi32, #tpu.memory_space<vmem>>) target_semaphore(%arg8 : memref<!tpu.dma_semaphore, #tpu.memory_space<semaphore_mem>>)
    %scan3A = arith.constant 0 : i32
    %scan3A_24 = arith.constant 25 : i32
    %scan3A_25 = arith.addi %scan3A, %scan3A_24 : i32
    %scan3A_26 = arith.constant 1 : i32
    scf.for %scan3A_57 = %scan3A to %scan3A_25 step %scan3A_26  : i32 {
      %mul3A_58 = arith.constant 2 : i32
      %mul3A_59 = arith.muli %scan3A_57, %mul3A_58 : i32
      %add3A_60 = arith.constant 0 : i32
      %add3A_61 = arith.addi %add3A_60, %mul3A_59 : i32
      %add3A_62 = arith.constant 0 : i32
      %add3A_63 = arith.addi %add3A_61, %add3A_62 : i32
      %ge3A = arith.constant 2 : i32
      %ge3A_64 = arith.cmpi sge, %add3A_63, %ge3A : i32
      %convert_element_type3A = arith.extui %ge3A_64 : i1 to i32
      %cond3A = arith.constant 0 : i32
      %cond3A_65 = arith.cmpi ne, %convert_element_type3A, %cond3A : i32
      scf.if %cond3A_65 {
        %mul3A_190 = arith.constant 512 : i32
        %mul3A_191 = arith.muli %add3A_63, %mul3A_190 : i32
        %add3A_192 = arith.addi %mul3A_2, %mul3A_191 : i32
        %dma_wait3A_193 = arith.constant 0 : i32
        %dma_wait3A_194 = arith.constant 0 : i32
        %dma_wait3A_195 = arith.constant 0 : i32
        %dma_wait3A_196 = tpu.memref_slice %arg6[%dma_wait3A_193, %dma_wait3A_194, %dma_wait3A_195] : memref<2x512x64xf32, #tpu.memory_space<vmem>> -> memref<1x512x64xf32, #tpu.memory_space<vmem>>
        %dma_wait3A_197 = tpu.memref_squeeze %dma_wait3A_196 : memref<1x512x64xf32, #tpu.memory_space<vmem>> -> memref<512x64xf32, #tpu.memory_space<vmem>>
        %dma_wait3A_198 = arith.constant 0 : i32
        %dma_wait3A_199 = tpu.memref_slice %arg4[%add3A_192, %dma_wait3A_198] : memref<819200x64xf32, #tpu.memory_space<hbm>> -> memref<512x64xf32, #tpu.memory_space<hbm>>
        %dma_wait3A_200 = arith.constant 0 : i32
        %dma_wait3A_201 = tpu.memref_slice %arg4[%add3A_192, %dma_wait3A_200] : memref<819200x64xf32, #tpu.memory_space<hbm>> -> memref<512x64xf32, #tpu.memory_space<hbm>>
        %dma_wait3A_202 = arith.constant 0 : i32
        %dma_wait3A_203 = arith.constant 0 : i32
        %dma_wait3A_204 = tpu.memref_slice %arg6[%dma_wait3A_193, %dma_wait3A_202, %dma_wait3A_203] : memref<2x512x64xf32, #tpu.memory_space<vmem>> -> memref<1x512x64xf32, #tpu.memory_space<vmem>>
        %dma_wait3A_205 = tpu.memref_squeeze %dma_wait3A_204 : memref<1x512x64xf32, #tpu.memory_space<vmem>> -> memref<512x64xf32, #tpu.memory_space<vmem>>
        tpu.wait_dma2 semaphore(%arg11 : memref<!tpu.dma_semaphore, #tpu.memory_space<semaphore_mem>>) src(%dma_wait3A_205 : memref<512x64xf32, #tpu.memory_space<vmem>>) dst(%dma_wait3A_201 : memref<512x64xf32, #tpu.memory_space<hbm>>)
      } else {
      }
      %mul3A_66 = arith.constant 512 : i32
      %mul3A_67 = arith.muli %add3A_63, %mul3A_66 : i32
      %add3A_68 = arith.addi %mul3A_2, %mul3A_67 : i32
      %dma_wait3A_69 = arith.constant 0 : i32
      %dma_wait3A_70 = arith.constant 0 : i32
      %dma_wait3A_71 = tpu.memref_slice %arg5[%dma_wait3A_69, %dma_wait3A_70] : memref<2x512xi32, #tpu.memory_space<vmem>> -> memref<1x512xi32, #tpu.memory_space<vmem>>
      %dma_wait3A_72 = tpu.memref_squeeze %dma_wait3A_71 : memref<1x512xi32, #tpu.memory_space<vmem>> -> memref<512xi32, #tpu.memory_space<vmem>>
      %dma_wait3A_73 = tpu.memref_slice %arg3[%add3A_68] : memref<819200xi32, #tpu.memory_space<hbm>> -> memref<512xi32, #tpu.memory_space<hbm>>
      %dma_wait3A_74 = arith.constant 0 : i32
      %dma_wait3A_75 = tpu.memref_slice %arg5[%dma_wait3A_69, %dma_wait3A_74] : memref<2x512xi32, #tpu.memory_space<vmem>> -> memref<1x512xi32, #tpu.memory_space<vmem>>
      %dma_wait3A_76 = tpu.memref_squeeze %dma_wait3A_75 : memref<1x512xi32, #tpu.memory_space<vmem>> -> memref<512xi32, #tpu.memory_space<vmem>>
      %dma_wait3A_77 = tpu.memref_slice %arg3[%add3A_68] : memref<819200xi32, #tpu.memory_space<hbm>> -> memref<512xi32, #tpu.memory_space<hbm>>
      tpu.wait_dma2 semaphore(%arg7 : memref<!tpu.dma_semaphore, #tpu.memory_space<semaphore_mem>>) src(%dma_wait3A_77 : memref<512xi32, #tpu.memory_space<hbm>>) dst(%dma_wait3A_76 : memref<512xi32, #tpu.memory_space<vmem>>)
      %dma_start3A_78 = arith.constant 0 : i32
      %dma_start3A_79 = arith.constant 0 : i32
      %dma_start3A_80 = arith.constant 0 : i32
      %dma_start3A_81 = arith.constant 0 : i32
      %dma_start3A_82 = tpu.memref_slice %arg6[%dma_start3A_79, %dma_start3A_80, %dma_start3A_81] : memref<2x512x64xf32, #tpu.memory_space<vmem>> -> memref<1x512x64xf32, #tpu.memory_space<vmem>>
      %dma_start3A_83 = tpu.memref_squeeze %dma_start3A_82 : memref<1x512x64xf32, #tpu.memory_space<vmem>> -> memref<512x64xf32, #tpu.memory_space<vmem>>
      %dma_start3A_84 = arith.constant 0 : i32
      %dma_start3A_85 = tpu.memref_slice %arg5[%dma_start3A_78, %dma_start3A_84] : memref<2x512xi32, #tpu.memory_space<vmem>> -> memref<1x512xi32, #tpu.memory_space<vmem>>
      %dma_start3A_86 = tpu.memref_squeeze %dma_start3A_85 : memref<1x512xi32, #tpu.memory_space<vmem>> -> memref<512xi32, #tpu.memory_space<vmem>>
      %dma_start3A_87 = arith.constant 0 : i32
      %dma_start3A_88 = arith.constant 0 : i32
      %dma_start3A_89 = tpu.memref_slice %arg2[%dma_start3A_87, %dma_start3A_88] : memref<1000000x64xf32, #tpu.memory_space<hbm>> -> memref<1000000x64xf32, #tpu.memory_space<hbm>>
      tpu.enqueue_indirect_dma source(%dma_start3A_89 : memref<1000000x64xf32, #tpu.memory_space<hbm>>) target(%dma_start3A_83 : memref<512x64xf32, #tpu.memory_space<vmem>>) offsets(%dma_start3A_86 : memref<512xi32, #tpu.memory_space<vmem>>) semaphore(%arg9 : memref<!tpu.dma_semaphore, #tpu.memory_space<semaphore_mem>>)
      %dma_wait3A_90 = arith.constant 0 : i32
      %dma_wait3A_91 = arith.constant 0 : i32
      %dma_wait3A_92 = arith.constant 0 : i32
      %dma_wait3A_93 = arith.constant 0 : i32
      %dma_wait3A_94 = tpu.memref_slice %arg6[%dma_wait3A_91, %dma_wait3A_92, %dma_wait3A_93] : memref<2x512x64xf32, #tpu.memory_space<vmem>> -> memref<1x512x64xf32, #tpu.memory_space<vmem>>
      %dma_wait3A_95 = tpu.memref_squeeze %dma_wait3A_94 : memref<1x512x64xf32, #tpu.memory_space<vmem>> -> memref<512x64xf32, #tpu.memory_space<vmem>>
      %dma_wait3A_96 = arith.constant 0 : i32
      %dma_wait3A_97 = tpu.memref_slice %arg5[%dma_wait3A_90, %dma_wait3A_96] : memref<2x512xi32, #tpu.memory_space<vmem>> -> memref<1x512xi32, #tpu.memory_space<vmem>>
      %dma_wait3A_98 = tpu.memref_squeeze %dma_wait3A_97 : memref<1x512xi32, #tpu.memory_space<vmem>> -> memref<512xi32, #tpu.memory_space<vmem>>
      %dma_wait3A_99 = arith.constant 0 : i32
      %dma_wait3A_100 = arith.constant 0 : i32
      %dma_wait3A_101 = tpu.memref_slice %arg2[%dma_wait3A_99, %dma_wait3A_100] : memref<1000000x64xf32, #tpu.memory_space<hbm>> -> memref<1000000x64xf32, #tpu.memory_space<hbm>>
      tpu.wait_indirect_dma semaphore(%arg9 : memref<!tpu.dma_semaphore, #tpu.memory_space<semaphore_mem>>) src(%dma_wait3A_101 : memref<1000000x64xf32, #tpu.memory_space<hbm>>) dst(%dma_wait3A_95 : memref<512x64xf32, #tpu.memory_space<vmem>>)
      %add3A_102 = arith.constant 2 : i32
      %add3A_103 = arith.addi %add3A_63, %add3A_102 : i32
      %lt3A = arith.constant 50 : i32
      %lt3A_104 = arith.cmpi slt, %add3A_103, %lt3A : i32
      %convert_element_type3A_105 = arith.extui %lt3A_104 : i1 to i32
      %cond3A_106 = arith.constant 0 : i32
      %cond3A_107 = arith.cmpi ne, %convert_element_type3A_105, %cond3A_106 : i32
      scf.if %cond3A_107 {
        %add3A_190 = arith.constant 2 : i32
        %add3A_191 = arith.addi %add3A_63, %add3A_190 : i32
        %mul3A_192 = arith.constant 512 : i32
        %mul3A_193 = arith.muli %add3A_191, %mul3A_192 : i32
        %add3A_194 = arith.addi %mul3A_2, %mul3A_193 : i32
        %dma_start3A_195 = arith.constant 0 : i32
        %dma_start3A_196 = arith.constant 0 : i32
        %dma_start3A_197 = tpu.memref_slice %arg5[%dma_start3A_195, %dma_start3A_196] : memref<2x512xi32, #tpu.memory_space<vmem>> -> memref<1x512xi32, #tpu.memory_space<vmem>>
        %dma_start3A_198 = tpu.memref_squeeze %dma_start3A_197 : memref<1x512xi32, #tpu.memory_space<vmem>> -> memref<512xi32, #tpu.memory_space<vmem>>
        %dma_start3A_199 = tpu.memref_slice %arg3[%add3A_194] : memref<819200xi32, #tpu.memory_space<hbm>> -> memref<512xi32, #tpu.memory_space<hbm>>
        %dma_start3A_200 = arith.constant 0 : i32
        %dma_start3A_201 = tpu.memref_slice %arg5[%dma_start3A_195, %dma_start3A_200] : memref<2x512xi32, #tpu.memory_space<vmem>> -> memref<1x512xi32, #tpu.memory_space<vmem>>
        %dma_start3A_202 = tpu.memref_squeeze %dma_start3A_201 : memref<1x512xi32, #tpu.memory_space<vmem>> -> memref<512xi32, #tpu.memory_space<vmem>>
        %dma_start3A_203 = tpu.memref_slice %arg3[%add3A_194] : memref<819200xi32, #tpu.memory_space<hbm>> -> memref<512xi32, #tpu.memory_space<hbm>>
        tpu.enqueue_dma source(%dma_start3A_203 : memref<512xi32, #tpu.memory_space<hbm>>) target(%dma_start3A_202 : memref<512xi32, #tpu.memory_space<vmem>>) target_semaphore(%arg7 : memref<!tpu.dma_semaphore, #tpu.memory_space<semaphore_mem>>)
      } else {
      }
      %mul3A_108 = arith.constant 512 : i32
      %mul3A_109 = arith.muli %add3A_63, %mul3A_108 : i32
      %add3A_110 = arith.addi %mul3A_2, %mul3A_109 : i32
      %dma_start3A_111 = arith.constant 0 : i32
      %dma_start3A_112 = arith.constant 0 : i32
      %dma_start3A_113 = arith.constant 0 : i32
      %dma_start3A_114 = tpu.memref_slice %arg6[%dma_start3A_111, %dma_start3A_112, %dma_start3A_113] : memref<2x512x64xf32, #tpu.memory_space<vmem>> -> memref<1x512x64xf32, #tpu.memory_space<vmem>>
      %dma_start3A_115 = tpu.memref_squeeze %dma_start3A_114 : memref<1x512x64xf32, #tpu.memory_space<vmem>> -> memref<512x64xf32, #tpu.memory_space<vmem>>
      %dma_start3A_116 = arith.constant 0 : i32
      %dma_start3A_117 = tpu.memref_slice %arg4[%add3A_110, %dma_start3A_116] : memref<819200x64xf32, #tpu.memory_space<hbm>> -> memref<512x64xf32, #tpu.memory_space<hbm>>
      %dma_start3A_118 = arith.constant 0 : i32
      %dma_start3A_119 = tpu.memref_slice %arg4[%add3A_110, %dma_start3A_118] : memref<819200x64xf32, #tpu.memory_space<hbm>> -> memref<512x64xf32, #tpu.memory_space<hbm>>
      %dma_start3A_120 = arith.constant 0 : i32
      %dma_start3A_121 = arith.constant 0 : i32
      %dma_start3A_122 = tpu.memref_slice %arg6[%dma_start3A_111, %dma_start3A_120, %dma_start3A_121] : memref<2x512x64xf32, #tpu.memory_space<vmem>> -> memref<1x512x64xf32, #tpu.memory_space<vmem>>
      %dma_start3A_123 = tpu.memref_squeeze %dma_start3A_122 : memref<1x512x64xf32, #tpu.memory_space<vmem>> -> memref<512x64xf32, #tpu.memory_space<vmem>>
      tpu.enqueue_dma source(%dma_start3A_123 : memref<512x64xf32, #tpu.memory_space<vmem>>) target(%dma_start3A_119 : memref<512x64xf32, #tpu.memory_space<hbm>>) target_semaphore(%arg11 : memref<!tpu.dma_semaphore, #tpu.memory_space<semaphore_mem>>)
      %add3A_124 = arith.constant 1 : i32
      %add3A_125 = arith.addi %add3A_61, %add3A_124 : i32
      %ge3A_126 = arith.constant 2 : i32
      %ge3A_127 = arith.cmpi sge, %add3A_125, %ge3A_126 : i32
      %convert_element_type3A_128 = arith.extui %ge3A_127 : i1 to i32
      %cond3A_129 = arith.constant 0 : i32
      %cond3A_130 = arith.cmpi ne, %convert_element_type3A_128, %cond3A_129 : i32
      scf.if %cond3A_130 {
        %mul3A_190 = arith.constant 512 : i32
        %mul3A_191 = arith.muli %add3A_125, %mul3A_190 : i32
        %add3A_192 = arith.addi %mul3A_2, %mul3A_191 : i32
        %dma_wait3A_193 = arith.constant 1 : i32
        %dma_wait3A_194 = arith.constant 0 : i32
        %dma_wait3A_195 = arith.constant 0 : i32
        %dma_wait3A_196 = tpu.memref_slice %arg6[%dma_wait3A_193, %dma_wait3A_194, %dma_wait3A_195] : memref<2x512x64xf32, #tpu.memory_space<vmem>> -> memref<1x512x64xf32, #tpu.memory_space<vmem>>
        %dma_wait3A_197 = tpu.memref_squeeze %dma_wait3A_196 : memref<1x512x64xf32, #tpu.memory_space<vmem>> -> memref<512x64xf32, #tpu.memory_space<vmem>>
        %dma_wait3A_198 = arith.constant 0 : i32
        %dma_wait3A_199 = tpu.memref_slice %arg4[%add3A_192, %dma_wait3A_198] : memref<819200x64xf32, #tpu.memory_space<hbm>> -> memref<512x64xf32, #tpu.memory_space<hbm>>
        %dma_wait3A_200 = arith.constant 0 : i32
        %dma_wait3A_201 = tpu.memref_slice %arg4[%add3A_192, %dma_wait3A_200] : memref<819200x64xf32, #tpu.memory_space<hbm>> -> memref<512x64xf32, #tpu.memory_space<hbm>>
        %dma_wait3A_202 = arith.constant 0 : i32
        %dma_wait3A_203 = arith.constant 0 : i32
        %dma_wait3A_204 = tpu.memref_slice %arg6[%dma_wait3A_193, %dma_wait3A_202, %dma_wait3A_203] : memref<2x512x64xf32, #tpu.memory_space<vmem>> -> memref<1x512x64xf32, #tpu.memory_space<vmem>>
        %dma_wait3A_205 = tpu.memref_squeeze %dma_wait3A_204 : memref<1x512x64xf32, #tpu.memory_space<vmem>> -> memref<512x64xf32, #tpu.memory_space<vmem>>
        tpu.wait_dma2 semaphore(%arg12 : memref<!tpu.dma_semaphore, #tpu.memory_space<semaphore_mem>>) src(%dma_wait3A_205 : memref<512x64xf32, #tpu.memory_space<vmem>>) dst(%dma_wait3A_201 : memref<512x64xf32, #tpu.memory_space<hbm>>)
      } else {
      }
      %mul3A_131 = arith.constant 512 : i32
      %mul3A_132 = arith.muli %add3A_125, %mul3A_131 : i32
      %add3A_133 = arith.addi %mul3A_2, %mul3A_132 : i32
      %dma_wait3A_134 = arith.constant 1 : i32
      %dma_wait3A_135 = arith.constant 0 : i32
      %dma_wait3A_136 = tpu.memref_slice %arg5[%dma_wait3A_134, %dma_wait3A_135] : memref<2x512xi32, #tpu.memory_space<vmem>> -> memref<1x512xi32, #tpu.memory_space<vmem>>
      %dma_wait3A_137 = tpu.memref_squeeze %dma_wait3A_136 : memref<1x512xi32, #tpu.memory_space<vmem>> -> memref<512xi32, #tpu.memory_space<vmem>>
      %dma_wait3A_138 = tpu.memref_slice %arg3[%add3A_133] : memref<819200xi32, #tpu.memory_space<hbm>> -> memref<512xi32, #tpu.memory_space<hbm>>
      %dma_wait3A_139 = arith.constant 0 : i32
      %dma_wait3A_140 = tpu.memref_slice %arg5[%dma_wait3A_134, %dma_wait3A_139] : memref<2x512xi32, #tpu.memory_space<vmem>> -> memref<1x512xi32, #tpu.memory_space<vmem>>
      %dma_wait3A_141 = tpu.memref_squeeze %dma_wait3A_140 : memref<1x512xi32, #tpu.memory_space<vmem>> -> memref<512xi32, #tpu.memory_space<vmem>>
      %dma_wait3A_142 = tpu.memref_slice %arg3[%add3A_133] : memref<819200xi32, #tpu.memory_space<hbm>> -> memref<512xi32, #tpu.memory_space<hbm>>
      tpu.wait_dma2 semaphore(%arg8 : memref<!tpu.dma_semaphore, #tpu.memory_space<semaphore_mem>>) src(%dma_wait3A_142 : memref<512xi32, #tpu.memory_space<hbm>>) dst(%dma_wait3A_141 : memref<512xi32, #tpu.memory_space<vmem>>)
      %dma_start3A_143 = arith.constant 1 : i32
      %dma_start3A_144 = arith.constant 1 : i32
      %dma_start3A_145 = arith.constant 0 : i32
      %dma_start3A_146 = arith.constant 0 : i32
      %dma_start3A_147 = tpu.memref_slice %arg6[%dma_start3A_144, %dma_start3A_145, %dma_start3A_146] : memref<2x512x64xf32, #tpu.memory_space<vmem>> -> memref<1x512x64xf32, #tpu.memory_space<vmem>>
      %dma_start3A_148 = tpu.memref_squeeze %dma_start3A_147 : memref<1x512x64xf32, #tpu.memory_space<vmem>> -> memref<512x64xf32, #tpu.memory_space<vmem>>
      %dma_start3A_149 = arith.constant 0 : i32
      %dma_start3A_150 = tpu.memref_slice %arg5[%dma_start3A_143, %dma_start3A_149] : memref<2x512xi32, #tpu.memory_space<vmem>> -> memref<1x512xi32, #tpu.memory_space<vmem>>
      %dma_start3A_151 = tpu.memref_squeeze %dma_start3A_150 : memref<1x512xi32, #tpu.memory_space<vmem>> -> memref<512xi32, #tpu.memory_space<vmem>>
      %dma_start3A_152 = arith.constant 0 : i32
      %dma_start3A_153 = arith.constant 0 : i32
      %dma_start3A_154 = tpu.memref_slice %arg2[%dma_start3A_152, %dma_start3A_153] : memref<1000000x64xf32, #tpu.memory_space<hbm>> -> memref<1000000x64xf32, #tpu.memory_space<hbm>>
      tpu.enqueue_indirect_dma source(%dma_start3A_154 : memref<1000000x64xf32, #tpu.memory_space<hbm>>) target(%dma_start3A_148 : memref<512x64xf32, #tpu.memory_space<vmem>>) offsets(%dma_start3A_151 : memref<512xi32, #tpu.memory_space<vmem>>) semaphore(%arg10 : memref<!tpu.dma_semaphore, #tpu.memory_space<semaphore_mem>>)
      %dma_wait3A_155 = arith.constant 1 : i32
      %dma_wait3A_156 = arith.constant 1 : i32
      %dma_wait3A_157 = arith.constant 0 : i32
      %dma_wait3A_158 = arith.constant 0 : i32
      %dma_wait3A_159 = tpu.memref_slice %arg6[%dma_wait3A_156, %dma_wait3A_157, %dma_wait3A_158] : memref<2x512x64xf32, #tpu.memory_space<vmem>> -> memref<1x512x64xf32, #tpu.memory_space<vmem>>
      %dma_wait3A_160 = tpu.memref_squeeze %dma_wait3A_159 : memref<1x512x64xf32, #tpu.memory_space<vmem>> -> memref<512x64xf32, #tpu.memory_space<vmem>>
      %dma_wait3A_161 = arith.constant 0 : i32
      %dma_wait3A_162 = tpu.memref_slice %arg5[%dma_wait3A_155, %dma_wait3A_161] : memref<2x512xi32, #tpu.memory_space<vmem>> -> memref<1x512xi32, #tpu.memory_space<vmem>>
      %dma_wait3A_163 = tpu.memref_squeeze %dma_wait3A_162 : memref<1x512xi32, #tpu.memory_space<vmem>> -> memref<512xi32, #tpu.memory_space<vmem>>
      %dma_wait3A_164 = arith.constant 0 : i32
      %dma_wait3A_165 = arith.constant 0 : i32
      %dma_wait3A_166 = tpu.memref_slice %arg2[%dma_wait3A_164, %dma_wait3A_165] : memref<1000000x64xf32, #tpu.memory_space<hbm>> -> memref<1000000x64xf32, #tpu.memory_space<hbm>>
      tpu.wait_indirect_dma semaphore(%arg10 : memref<!tpu.dma_semaphore, #tpu.memory_space<semaphore_mem>>) src(%dma_wait3A_166 : memref<1000000x64xf32, #tpu.memory_space<hbm>>) dst(%dma_wait3A_160 : memref<512x64xf32, #tpu.memory_space<vmem>>)
      %add3A_167 = arith.constant 2 : i32
      %add3A_168 = arith.addi %add3A_125, %add3A_167 : i32
      %lt3A_169 = arith.constant 50 : i32
      %lt3A_170 = arith.cmpi slt, %add3A_168, %lt3A_169 : i32
      %convert_element_type3A_171 = arith.extui %lt3A_170 : i1 to i32
      %cond3A_172 = arith.constant 0 : i32
      %cond3A_173 = arith.cmpi ne, %convert_element_type3A_171, %cond3A_172 : i32
      scf.if %cond3A_173 {
        %add3A_190 = arith.constant 2 : i32
        %add3A_191 = arith.addi %add3A_125, %add3A_190 : i32
        %mul3A_192 = arith.constant 512 : i32
        %mul3A_193 = arith.muli %add3A_191, %mul3A_192 : i32
        %add3A_194 = arith.addi %mul3A_2, %mul3A_193 : i32
        %dma_start3A_195 = arith.constant 1 : i32
        %dma_start3A_196 = arith.constant 0 : i32
        %dma_start3A_197 = tpu.memref_slice %arg5[%dma_start3A_195, %dma_start3A_196] : memref<2x512xi32, #tpu.memory_space<vmem>> -> memref<1x512xi32, #tpu.memory_space<vmem>>
        %dma_start3A_198 = tpu.memref_squeeze %dma_start3A_197 : memref<1x512xi32, #tpu.memory_space<vmem>> -> memref<512xi32, #tpu.memory_space<vmem>>
        %dma_start3A_199 = tpu.memref_slice %arg3[%add3A_194] : memref<819200xi32, #tpu.memory_space<hbm>> -> memref<512xi32, #tpu.memory_space<hbm>>
        %dma_start3A_200 = arith.constant 0 : i32
        %dma_start3A_201 = tpu.memref_slice %arg5[%dma_start3A_195, %dma_start3A_200] : memref<2x512xi32, #tpu.memory_space<vmem>> -> memref<1x512xi32, #tpu.memory_space<vmem>>
        %dma_start3A_202 = tpu.memref_squeeze %dma_start3A_201 : memref<1x512xi32, #tpu.memory_space<vmem>> -> memref<512xi32, #tpu.memory_space<vmem>>
        %dma_start3A_203 = tpu.memref_slice %arg3[%add3A_194] : memref<819200xi32, #tpu.memory_space<hbm>> -> memref<512xi32, #tpu.memory_space<hbm>>
        tpu.enqueue_dma source(%dma_start3A_203 : memref<512xi32, #tpu.memory_space<hbm>>) target(%dma_start3A_202 : memref<512xi32, #tpu.memory_space<vmem>>) target_semaphore(%arg8 : memref<!tpu.dma_semaphore, #tpu.memory_space<semaphore_mem>>)
      } else {
      }
      %mul3A_174 = arith.constant 512 : i32
      %mul3A_175 = arith.muli %add3A_125, %mul3A_174 : i32
      %add3A_176 = arith.addi %mul3A_2, %mul3A_175 : i32
      %dma_start3A_177 = arith.constant 1 : i32
      %dma_start3A_178 = arith.constant 0 : i32
      %dma_start3A_179 = arith.constant 0 : i32
      %dma_start3A_180 = tpu.memref_slice %arg6[%dma_start3A_177, %dma_start3A_178, %dma_start3A_179] : memref<2x512x64xf32, #tpu.memory_space<vmem>> -> memref<1x512x64xf32, #tpu.memory_space<vmem>>
      %dma_start3A_181 = tpu.memref_squeeze %dma_start3A_180 : memref<1x512x64xf32, #tpu.memory_space<vmem>> -> memref<512x64xf32, #tpu.memory_space<vmem>>
      %dma_start3A_182 = arith.constant 0 : i32
      %dma_start3A_183 = tpu.memref_slice %arg4[%add3A_176, %dma_start3A_182] : memref<819200x64xf32, #tpu.memory_space<hbm>> -> memref<512x64xf32, #tpu.memory_space<hbm>>
      %dma_start3A_184 = arith.constant 0 : i32
      %dma_start3A_185 = tpu.memref_slice %arg4[%add3A_176, %dma_start3A_184] : memref<819200x64xf32, #tpu.memory_space<hbm>> -> memref<512x64xf32, #tpu.memory_space<hbm>>
      %dma_start3A_186 = arith.constant 0 : i32
      %dma_start3A_187 = arith.constant 0 : i32
      %dma_start3A_188 = tpu.memref_slice %arg6[%dma_start3A_177, %dma_start3A_186, %dma_start3A_187] : memref<2x512x64xf32, #tpu.memory_space<vmem>> -> memref<1x512x64xf32, #tpu.memory_space<vmem>>
      %dma_start3A_189 = tpu.memref_squeeze %dma_start3A_188 : memref<1x512x64xf32, #tpu.memory_space<vmem>> -> memref<512x64xf32, #tpu.memory_space<vmem>>
      tpu.enqueue_dma source(%dma_start3A_189 : memref<512x64xf32, #tpu.memory_space<vmem>>) target(%dma_start3A_185 : memref<512x64xf32, #tpu.memory_space<hbm>>) target_semaphore(%arg12 : memref<!tpu.dma_semaphore, #tpu.memory_space<semaphore_mem>>)
    }
    %scan3A_27 = arith.constant 25 : i32
    %add3A_28 = arith.constant 24576 : i32
    %add3A_29 = arith.addi %mul3A_2, %add3A_28 : i32
    %dma_wait3A = arith.constant 0 : i32
    %dma_wait3A_30 = arith.constant 0 : i32
    %dma_wait3A_31 = arith.constant 0 : i32
    %dma_wait3A_32 = tpu.memref_slice %arg6[%dma_wait3A, %dma_wait3A_30, %dma_wait3A_31] : memref<2x512x64xf32, #tpu.memory_space<vmem>> -> memref<1x512x64xf32, #tpu.memory_space<vmem>>
    %dma_wait3A_33 = tpu.memref_squeeze %dma_wait3A_32 : memref<1x512x64xf32, #tpu.memory_space<vmem>> -> memref<512x64xf32, #tpu.memory_space<vmem>>
    %dma_wait3A_34 = arith.constant 0 : i32
    %dma_wait3A_35 = tpu.memref_slice %arg4[%add3A_29, %dma_wait3A_34] : memref<819200x64xf32, #tpu.memory_space<hbm>> -> memref<512x64xf32, #tpu.memory_space<hbm>>
    %dma_wait3A_36 = arith.constant 0 : i32
    %dma_wait3A_37 = tpu.memref_slice %arg4[%add3A_29, %dma_wait3A_36] : memref<819200x64xf32, #tpu.memory_space<hbm>> -> memref<512x64xf32, #tpu.memory_space<hbm>>
    %dma_wait3A_38 = arith.constant 0 : i32
    %dma_wait3A_39 = arith.constant 0 : i32
    %dma_wait3A_40 = tpu.memref_slice %arg6[%dma_wait3A, %dma_wait3A_38, %dma_wait3A_39] : memref<2x512x64xf32, #tpu.memory_space<vmem>> -> memref<1x512x64xf32, #tpu.memory_space<vmem>>
    %dma_wait3A_41 = tpu.memref_squeeze %dma_wait3A_40 : memref<1x512x64xf32, #tpu.memory_space<vmem>> -> memref<512x64xf32, #tpu.memory_space<vmem>>
    tpu.wait_dma2 semaphore(%arg11 : memref<!tpu.dma_semaphore, #tpu.memory_space<semaphore_mem>>) src(%dma_wait3A_41 : memref<512x64xf32, #tpu.memory_space<vmem>>) dst(%dma_wait3A_37 : memref<512x64xf32, #tpu.memory_space<hbm>>)
    %add3A_42 = arith.constant 25088 : i32
    %add3A_43 = arith.addi %mul3A_2, %add3A_42 : i32
    %dma_wait3A_44 = arith.constant 1 : i32
    %dma_wait3A_45 = arith.constant 0 : i32
    %dma_wait3A_46 = arith.constant 0 : i32
    %dma_wait3A_47 = tpu.memref_slice %arg6[%dma_wait3A_44, %dma_wait3A_45, %dma_wait3A_46] : memref<2x512x64xf32, #tpu.memory_space<vmem>> -> memref<1x512x64xf32, #tpu.memory_space<vmem>>
    %dma_wait3A_48 = tpu.memref_squeeze %dma_wait3A_47 : memref<1x512x64xf32, #tpu.memory_space<vmem>> -> memref<512x64xf32, #tpu.memory_space<vmem>>
    %dma_wait3A_49 = arith.constant 0 : i32
    %dma_wait3A_50 = tpu.memref_slice %arg4[%add3A_43, %dma_wait3A_49] : memref<819200x64xf32, #tpu.memory_space<hbm>> -> memref<512x64xf32, #tpu.memory_space<hbm>>
    %dma_wait3A_51 = arith.constant 0 : i32
    %dma_wait3A_52 = tpu.memref_slice %arg4[%add3A_43, %dma_wait3A_51] : memref<819200x64xf32, #tpu.memory_space<hbm>> -> memref<512x64xf32, #tpu.memory_space<hbm>>
    %dma_wait3A_53 = arith.constant 0 : i32
    %dma_wait3A_54 = arith.constant 0 : i32
    %dma_wait3A_55 = tpu.memref_slice %arg6[%dma_wait3A_44, %dma_wait3A_53, %dma_wait3A_54] : memref<2x512x64xf32, #tpu.memory_space<vmem>> -> memref<1x512x64xf32, #tpu.memory_space<vmem>>
    %dma_wait3A_56 = tpu.memref_squeeze %dma_wait3A_55 : memref<1x512x64xf32, #tpu.memory_space<vmem>> -> memref<512x64xf32, #tpu.memory_space<vmem>>
    tpu.wait_dma2 semaphore(%arg12 : memref<!tpu.dma_semaphore, #tpu.memory_space<semaphore_mem>>) src(%dma_wait3A_56 : memref<512x64xf32, #tpu.memory_space<vmem>>) dst(%dma_wait3A_52 : memref<512x64xf32, #tpu.memory_space<hbm>>)
    return
  }
}

</mosaic_0001>

<sc_bundles>
// kernel: kernel.3.cloned.1.call-start
scs
__scs_entry_jumppad:
0x0: {  	(pc) =	sbr.rel $0x88, $3  }
0x1: {  	(tag) =	ssettag $0x0;
	lr =	simm.s32 $0x1  }
0x2: {  	[smem:$0x3F9F] =	sst lr;
	_ =	strace $0xD0000000  }
0x3: {  	_ = 	snop  }
0x4: {  	_ = 	snop  }
0x5: {  	_ = 	snop  }
0x6: {  	_ = 	snop  }
0x7: {  	_ = 	snop  }
__scs_overlays_trampoline_lowered:
0x8: {  	[smem:$0x3FAE] =	sst s0  }
0x9: {  	[smem:$0x3FAF] =	sst s1  }
0xa: {  	[smem:$0x3FB0] =	sst s2  }
0xb: {  	[smem:$0x3FB1] =	sst s3  }
0xc: {  	[smem:$0x3FB2] =	sst s4  }
0xd: {  	[smem:$0x3FB3] =	sst s5  }
0xe: {  	[smem:$0x3FB4] =	sst s6  }
0xf: {  	[smem:$0x3FB5] =	sst s7  }
0x10: {  	[smem:$0x3FB6] =	sst s8  }
0x11: {  	[smem:$0x3FB7] =	sst s9;
	s0 =	simm.s32 @!p0 $0x0  }
0x12: {  	s1 =	sld [smem:$0x3F9D];
	s0 =	simm.s32 @p0 $0x1  }
0x13: {  	[smem:$0x3FB8] =	sst s0;
	s0 =	simm.s32 @!p1 $0x0  }
0x14: {  	s2 =	sld [smem:$0x3F9C];
	s0 =	simm.s32 @p1 $0x1  }
0x15: {  	[smem:$0x3FB9] =	sst s0;
	s0 =	simm.s32 @!p2 $0x0  }
0x16: {  	s3 =	sld [smem:$0x3FDB];
	s0 =	simm.s32 @p2 $0x1  }
0x17: {  	s4 =	simm.s32 $0x1BF5;
	[smem:$0x3FBB] =	sst s0  }
0x18: {  	s0 =	sld [smem:$0x3F9E];
	_ =	swait.ge [sflag:s4], $0x0  }
0x19: {  	s7 =	sld [smem:$0x3F9F]  }
0x1a: {  	s8 =	sadd.s32 $0xFFFFE003, lr  }
0x1b: {  	s9 =	sadd.s32 $0xFFFFFEF7, lr;
	s5 =	simm.s32 $0xFFFFFFFF;
	p2 =	slt.u32 s8, $0xFFFFF086  }
0x1c: {  	p1 =	slt.u32 s9, $0xF7A;
	s5 =	simm.s32 @!p2 $0x0  }
0x1d: {  	s5 =	simm.s32 @p1 $0x1;
	p0 =	seq.s32 s7, s2  }
0x1e: {  	s7 =	smul.u32 @!p0 $0xF7A, s2;
	p2 =	seq.s32 @!p0 s5, $0x0  }
0x1f: {  	s9 =	smul.u32 $0xF7A, s1;
	s8 =	simm.s32 @!p0 $0x1BF5;
	p2 =	por !p2, p0  }
0x20: {  	[sflag:s8] =	ssyncset.s32 @!p0 $0xFFFFF086;
	s6 =	sadd.s32 @!p0 s3, s7;
	s7 =	simm.s32 @!p0 $0x108  }
0x21: {  	s3 =	sadd.s32 s3, s9;
	s6 =	sadd.s32 @!p0 $0x88, s6;
	s7 =	simm.s32 @p2 $0x1082  }
0x22: {  	[simem:s7], [sflag:s8] =	dma.local @!p0 [hbm:s6], $0xF7A  }
0x23: {  	s9 =	sor.u32 $0xD0000000, s2;
	s6 =	simm.s32 $0x108;
	_ =	swait.ge @!p0 [sflag:s8], $0x0  }
0x24: {  	s3 =	sadd.s32 $0x88, s3;
	s6 =	simm.s32 @!p1 $0x1082;
	[sflag:s4] =	ssyncset.s32 $0xFFFFF086  }
0x25: {  	[simem:s6], [sflag:s4] =	dma.local [hbm:s3], $0xF7A  }
0x26: {  	[smem:$0x3F9F] =	sst s1;
	(tag) =	ssettag s2;
	_ =	strace s9  }
0x27: {  	s1 =	sld [smem:$0x3FAF]  }
0x28: {  	s2 =	sld [smem:$0x3FB0]  }
0x29: {  	s4 =	sld [smem:$0x3FB2]  }
0x2a: {  	p0 =	seq.s32 s5, $0x0;
	s5 =	sld [smem:$0x3FB3]  }
0x2b: {  	s6 =	sld [smem:$0x3FB4]  }
0x2c: {  	s7 =	sld [smem:$0x3FB5]  }
0x2d: {  	s3 =	simm.s32 $0x108;
	s8 =	sld [smem:$0x3FB6]  }
0x2e: {  	s3 =	simm.s32 @!p0 $0x1082;
	s9 =	sld [smem:$0x3FB7]  }
0x2f: {  	lr =	sadd.s32 s0, s3;
	s0 =	sld [smem:$0x3FAE]  }
0x30: {  	s3 =	sld [smem:$0x3FB1]  }
0x31: {  	[smem:$0x3FBA] =	sst s10  }
0x32: {  	s10 =	sld [smem:$0x3FB8];
	_ =	sdelay $0x3  }
0x33: {  	p0 =	seq.s32 s10, $0x1;
	s10 =	sld [smem:$0x3FBA];
	_ =	sdelay $0x3  }
0x34: {  	[smem:$0x3FBA] =	sst s10  }
0x35: {  	s10 =	sld [smem:$0x3FB9];
	_ =	sdelay $0x3  }
0x36: {  	p1 =	seq.s32 s10, $0x1;
	s10 =	sld [smem:$0x3FBA];
	_ =	sdelay $0x3  }
0x37: {  	[smem:$0x3FBA] =	sst s10  }
0x38: {  	s10 =	sld [smem:$0x3FBB]  }
0x39: {  	_ = 	snop;
	(pc) =	sbr.ind lr, $3  }
0x3a: {  	_ = 	snop  }
0x3b: {  	_ = 	snop  }
0x3c: {  	p2 =	seq.s32 s10, $0x1;
	s10 =	sld [smem:$0x3FBA]  }
0x3d: {  	_ =	shalt  }
0x3e: {  	_ =	shalt  }
0x3f: {  	_ =	shalt  }
0x40: {  	_ =	shalt  }
0x41: {  	_ =	shalt  }
0x42: {  	_ =	shalt  }
0x43: {  	_ =	shalt  }
0x44: {  	_ =	shalt  }
0x45: {  	_ =	shalt  }
0x46: {  	_ =	shalt  }
0x47: {  	_ =	shalt  }
0x48: {  	_ =	shalt  }
0x49: {  	_ =	shalt  }
0x4a: {  	_ =	shalt  }
0x4b: {  	_ =	shalt  }
0x4c: {  	_ =	shalt  }
0x4d: {  	_ =	shalt  }
0x4e: {  	_ =	shalt  }
0x4f: {  	_ =	shalt  }
0x50: {  	_ =	shalt  }
0x51: {  	_ =	shalt  }
0x52: {  	_ =	shalt  }
0x53: {  	_ =	shalt  }
0x54: {  	_ =	shalt  }
0x55: {  	_ =	shalt  }
0x56: {  	_ =	shalt  }
0x57: {  	_ =	shalt  }
0x58: {  	_ =	shalt  }
0x59: {  	_ =	shalt  }
0x5a: {  	_ =	shalt  }
0x5b: {  	_ =	shalt  }
0x5c: {  	_ =	shalt  }
0x5d: {  	_ =	shalt  }
0x5e: {  	_ =	shalt  }
0x5f: {  	_ =	shalt  }
0x60: {  	_ =	shalt  }
0x61: {  	_ =	shalt  }
0x62: {  	_ =	shalt  }
0x63: {  	_ =	shalt  }
0x64: {  	_ =	shalt  }
0x65: {  	_ =	shalt  }
0x66: {  	_ =	shalt  }
0x67: {  	_ =	shalt  }
0x68: {  	_ =	shalt  }
0x69: {  	_ =	shalt  }
0x6a: {  	_ =	shalt  }
0x6b: {  	_ =	shalt  }
0x6c: {  	_ =	shalt  }
0x6d: {  	_ =	shalt  }
0x6e: {  	_ =	shalt  }
0x6f: {  	_ =	shalt  }
0x70: {  	_ =	shalt  }
0x71: {  	_ =	shalt  }
0x72: {  	_ =	shalt  }
0x73: {  	_ =	shalt  }
0x74: {  	_ =	shalt  }
0x75: {  	_ =	shalt  }
0x76: {  	_ =	shalt  }
0x77: {  	_ =	shalt  }
0x78: {  	_ =	shalt  }
0x79: {  	_ =	shalt  }
0x7a: {  	_ =	shalt  }
0x7b: {  	_ =	shalt  }
0x7c: {  	_ =	shalt  }
0x7d: {  	_ =	shalt  }
0x7e: {  	_ =	shalt  }
0x7f: {  	_ =	shalt  }
0x80: {  	_ =	shalt  }
0x81: {  	_ =	shalt  }
0x82: {  	_ =	shalt  }
0x83: {  	_ =	shalt  }
0x84: {  	_ =	shalt  }
0x85: {  	_ =	shalt  }
0x86: {  	_ =	shalt  }
0x87: {  	_ =	shalt  }
.Lfunc_end0:
.L_simem_size_0:
called_computation.1_lowered:
.L_overlay_start_0:
0x88: {  	s2 =	sld [smem:$0x3FD9]  }
0x89: {  	s3 =	sld [smem:$0x3FFE];
	_ =	sdelay $0x1  }
0x8a: {  	s1 =	srdreg.scid  }
0x8b: {  	s0 =	sand.u32 $0x1, s1  }
0x8c: {  	s17 =	sshll.u32 s0, $0xA;
	s2 =	sadd.s32 s3, s2  }
0x8d: {  	s2 =	sadd.s32 s2, s17  }
0x8e: {  	[smem:$0x3FC6] =	sst s2  }
0x8f: {  	_ = 	snop  }
0x90: {  	s2 =	sld [smem:$0x3FD0];
	(tm) =	ssettm $0x1  }
0x91: {  	s18 =	sld [smem:$0x3FFB];
	_ =	sdelay $0x3  }
0x92: {  	_ =	strace s18  }
0x93: {  	s3 =	sld [smem:$0x3FFC];
	_ =	sdelay $0x3  }
0x94: {  	_ =	strace s3  }
0x95: {  	s3 =	sld [smem:$0x3FFD];
	_ =	sdelay $0x3  }
0x96: {  	_ =	strace s3  }
0x97: {  	_ =	strace $0x8FFFFFFF  }
0x98: {  	s19 =	sld [smem:$0x3FDB];
	_ =	sdelay $0x1  }
0x99: {  	s4 =	simm.s32 $_scs_section_size  }
0x9a: {  	s5 =	simm.s32 $_size__tile_overlayer_lowered;
	s6 =	simm.s32 $_tile_overlayer_lowered  }
0x9b: {  	s22 =	simm.s32 $0x1BFF;
	s21 =	sshll.u32 s6, $0x1;
	s3 =	sadd.s32 s4, s19  }
0x9c: {  	s7 =	simm.s32 $0x0;
	s20 =	sshll.u32 s5, $0x1;
	s5 =	sadd.s32 s21, s3  }
0x9d: {  	[timem:s7], [sflag:s22] =	dma.local [hbm:s5], s20  }
0x9e: {  	_ =	swait.ge [sflag:s22], s20  }
0x9f: {  	s4 =	ssub.s32 $0x0, s20;
	[sflag:s22] =	ssyncset.done $0x0  }
0xa0: {  	[sflag:s22] =	ssyncadd.s32 s4;
	_ =	sdelay $0x1  }
0xa1: {  	s23 =	simm.s32 $0x1B8B  }
0xa2: {  	_ =	swait.ge [sflag:s23], $0x1  }
0xa3: {  	[sflag:s23] =	ssyncset.done $0x0  }
0xa4: {  	s25 =	simm.s32 $0x1B8E;
	s24 =	sld [smem:$0x3FFE];
	[sflag:s23] =	ssyncadd.s32 $0xFFFFFFFF  }
0xa5: {  	s26 =	simm.s32 $execute0_lowered;
	[smem:$0x3FD2] =	sst s25  }
0xa6: {  	s5 =	sshll.u32 s26, $0x1;
	_ =	strace $0x80000046;
	[dreg:$0x1] =	wrdreg $0xFFFFFFFF  }
0xa7: {  	s28 =	simm.s32 $_size_execute0_lowered;
	s3 =	sadd.s32 s3, s5;
	[dreg:$0x0] =	wrdreg $0x0  }
0xa8: {  	s5 =	sshll.u32 s28, $0x1;
	[dreg:$0x2] =	wrdreg s3  }
0xa9: {  	[dreg:$0x3] =	wrdreg s5  }
0xaa: {  	[dreg:$0x4] =	wrdreg $0xC0  }
0xab: {  	_ =	task [dreg:s7], $0x5FFFF  }
0xac: {  	[dreg:$0x1] =	wrdreg $0xFFFFFFFF  }
0xad: {  	[dreg:$0x0] =	wrdreg $0x60  }
0xae: {  	[dreg:$0x2] =	wrdreg s24  }
0xaf: {  	[dreg:$0x3] =	wrdreg s2  }
0xb0: {  	[dreg:$0x4] =	wrdreg $0x9  }
0xb1: {  	_ =	task.clear_ibuf [dreg:s7], $0x5FFFF;
	_ =	strace $0x90000046  }
0xb2: {  	s29 =	simm.s32 $0x9;
	_ =	strace $0x80000048  }
0xb3: {  	_ =	swait.ge [sflag:s29], $0x1  }
0xb4: {  	[sflag:s29] =	ssyncadd.s32 $0xFFFFFFFF  }
0xb5: {  	_ =	strace $0x90000048  }
0xb6: {  	_ =	sfence  }
0xb7: {  	s30 =	sld [smem:$0x0];
	_ =	sdelay $0x2  }
0xb8: {  	s31 =	sshll.u32 s1, $0xD;
	s1 =	sshrl.u32 s1, $0x2  }
0xb9: {  	s3 =	sand.u32 $0x4000, s31;
	s1 =	sadd.s32 s1, s30  }
0xba: {  	s0 =	sor.u32 s3, s0;
	s1 =	sshll.u32 s1, $0x11  }
0xbb: {  	s0 =	sor.u32 s1, s0  }
0xbc: {  	s0 =	sadd.s32 $0x8F2B, s0  }
0xbd: {  	[sflag:s0] =	ssyncadd.remote.s32 $0x1  }
0xbe: {  	_ =	sfence.sel $0xFFFF  }
0xbf: {  	[dreg:$0x0] =	wrdreg $0xFFFFFFFF;
	(pc) =	sbr.abs _section_cstart, $3  }
0xc0: {  	[dreg:$0x1] =	wrdreg $0xFFFFFFFF  }
0xc1: {  	_ =	task.clear_ibuf [dreg:s7], $0x2FFFF;
	_ =	strace $0x9FFFFFFF  }
0xc2: {  	(tm) =	ssettm $0x7FFFFFFF  }
0xc3: {  	_ =	shalt  }
tec
execute0_lowered:
.L_overlay_start_1:
0x0: {  	(tag) =	ssettag $0x1  }
0x1: {  	s0 =	rddreg [dreg:$0x0]  }
0x2: {  	s2 =	rddreg [dreg:$0x1];
	s4 =	srdreg.scid  }
0x3: {  	s1 =	stileid.u32;
	s3 =	simm.s32 $0x0;
	s19 =	simm.s32 $0x1  }
0x4: {  	s20 =	simm.s32 $0x400;
	s21 =	simm.s32 $0x3;
	s14 =	smul.u32 $0x320000, s1  }
0x5: {  	s22 =	simm.s32 $0x2;
	s10 =	sand.u32 $0x1, s4;
	s15 =	smul.u32 $0xC800, s1  }
0x6: {  	s28 =	simm.s32 $0x0;
	s23 =	sshll.u32 s1, $0x1;
	s26 =	smul.u32 $0x190000, s10  }
0x7: {  	[smem:$0x7FF] =	sst s3;
	s6 =	sor.u32 s10, s23;
	s17 =	smul.u32 $0x6400, s10  }
0x8: {  	s4 =	sadd.s32 $0xF42E00, s0;
	s16 =	sadd.s32 $0xA00, s0;
	s7 =	smul.u32 $0x6400, s6  }
0x9: {  	_ =	strace $0x80000047;
	s24 =	ssub.s32 $0x2, s10;
	s9 =	smul.u32 $0x190000, s6  }
0xa: {  	s23 =	simm.s32 $0x8400;
	s8 =	sshrl.u32 s24, $0x1;
	s13 =	smul.u32 $0x32000, s6  }
0xb: {  	s0 =	ssub.s32 s24, s8;
	s15 =	sadd.s32 s17, s15;
	s24 =	simm.s32 $0x4  }
0xc: {  	s5 =	sshrl.u32 s7, $0x3;
	s11 =	sshll.u32 s7, $0x3;
	s0 =	smax.u32 s0, $0x1  }
0xd: {  	s9 =	sshrl.u32 s9, $0x3;
	s13 =	sadd.s32 s2, s13;
	s29 =	sadd.s32 $0xA00, s15  }
0xe: {  	s17 =	sshll.u32 s15, $0x3;
	s18 =	sadd.s32 $0x800, s15;
	s5 =	sadd.s32 s16, s5  }
0xf: {  	[dreg:$0x4] =	wrdreg s0;
	s9 =	sadd.s32 s2, s9;
	s11 =	sadd.s32 s11, s2  }
0x10: {  	s0 =	sadd.s32 s26, s14;
	s13 =	sadd.s32 $0x31000, s13;
	s30 =	sadd.s32 s2, s17  }
0x11: {  	s31 =	sshrl.u32 s18, $0x3;
	s18 =	simm.s32 $0x200;
	s26 =	simm.s32 $0x6  }
0x12: {  	s25 =	sadd.s32 $0x40, s5;
	s8 =	sadd.s32 $0x80, s5;
	s10 =	sadd.s32 $0xC0, s5  }
0x13: {  	s11 =	sadd.s32 $0x1000, s11;
	s12 =	sadd.s32 $0x30000, s9;
	s14 =	sadd.s32 $0x10000, s0  }
0x14: {  	s0 =	sshrl.u32 s29, $0x3;
	s17 =	sadd.s32 s31, s16;
	[dreg:$0x3] =	wrdreg s25  }
0x15: {  	s15 =	sadd.s32 s0, s16;
	s0 =	sadd.s32 $0x3000, s30;
	s25 =	simm.s32 $0x5  }
.LBB2_1:
0x16: {  	[tilespmem:s3], [sflag:$0x1] =	stream.linear.gather [hbm4b:s5+s3], $0x200, $0x38;
	[tilespmem:$0x10400] =	vst v63  }
0x17: {  	s1 =	rddreg [dreg:$0x3]  }
0x18: {  	[tilespmem:s18], [sflag:$0x2] =	stream.linear.gather [hbm4b:s1+s3], $0x200, $0x38;
	[tilespmem:$0x10400] =	vst v63  }
0x19: {  	_ =	swait.ge [sflag:s19], $0x200  }
0x1a: {  	[sflag:s19] =	ssyncset.done $0x0  }
0x1b: {  	[sflag:s19] =	ssyncadd.s32 $0xFFFFFE00  }
0x1c: {  	[tilespmem:s20], [sflag:$0x3] =	stream.indirect.gather [hbm4b:s4+s18], $0x40, s3, s18, $0xb8;
	[tilespmem:$0x10400] =	vst v63  }
0x1d: {  	_ =	swait.ge [sflag:s21], $0x8000  }
0x1e: {  	[sflag:s21] =	ssyncset.done $0x0  }
0x1f: {  	[sflag:s21] =	ssyncadd.s32 $0xFFFF8000  }
0x20: {  	[tilespmem:s3], [sflag:$0x1] =	stream.linear.gather [hbm4b:s8+s3], $0x200, $0x38;
	[tilespmem:$0x10400] =	vst v63  }
0x21: {  	_ = 	snop  }
0x22: {  	[hbm4b:s9+s3] =	stream.linear.scatter [tilespmem:s20], [sflag:$0x5], $0x8000, $0x38;
	[tilespmem:$0x10400] =	vst v63  }
0x23: {  	_ =	swait.ge [sflag:s22], $0x200  }
0x24: {  	[sflag:s22] =	ssyncset.done $0x0  }
0x25: {  	[sflag:s22] =	ssyncadd.s32 $0xFFFFFE00  }
0x26: {  	[tilespmem:s23], [sflag:$0x4] =	stream.indirect.gather [hbm4b:s4+s18], $0x40, s18, s18, $0xb8;
	[tilespmem:$0x10400] =	vst v63  }
0x27: {  	_ =	swait.ge [sflag:s24], $0x8000  }
0x28: {  	[sflag:s24] =	ssyncset.done $0x0  }
0x29: {  	[sflag:s24] =	ssyncadd.s32 $0xFFFF8000  }
0x2a: {  	[tilespmem:s18], [sflag:$0x2] =	stream.linear.gather [hbm4b:s10+s3], $0x200, $0x38;
	[tilespmem:$0x10400] =	vst v63  }
0x2b: {  	_ = 	snop  }
0x2c: {  	[hbm4b:s11+s3] =	stream.linear.scatter [tilespmem:s23], [sflag:$0x6], $0x8000, $0x38;
	[tilespmem:$0x10400] =	vst v63  }
0x2d: {  	_ =	swait.ge [sflag:s25], $0x8000  }
0x2e: {  	[sflag:s25] =	ssyncset.done $0x0  }
0x2f: {  	[sflag:s25] =	ssyncadd.s32 $0xFFFF8000  }
0x30: {  	_ =	swait.ge [sflag:s19], $0x200  }
0x31: {  	[sflag:s19] =	ssyncset.done $0x0  }
0x32: {  	[sflag:s19] =	ssyncadd.s32 $0xFFFFFE00  }
0x33: {  	[tilespmem:s20], [sflag:$0x3] =	stream.indirect.gather [hbm4b:s4+s18], $0x40, s3, s18, $0xb8;
	[tilespmem:$0x10400] =	vst v63  }
0x34: {  	_ =	swait.ge [sflag:s21], $0x8000  }
0x35: {  	[sflag:s21] =	ssyncset.done $0x0  }
0x36: {  	s16 =	sadd.s32 $0x0, s17;
	s29 =	sshrl.u32 s14, $0x3;
	[sflag:s21] =	ssyncadd.s32 $0xFFFF8000  }
0x37: {  	[tilespmem:s3], [sflag:$0x1] =	stream.linear.gather [hbm4b:s16+s3], $0x200, $0x38;
	[tilespmem:$0x10400] =	vst v63  }
0x38: {  	s6 =	sadd.s32 s2, s29  }
0x39: {  	[hbm4b:s6+s3] =	stream.linear.scatter [tilespmem:s20], [sflag:$0x5], $0x8000, $0x38;
	[tilespmem:$0x10400] =	vst v63  }
0x3a: {  	_ =	swait.ge [sflag:s26], $0x8000  }
0x3b: {  	[sflag:s26] =	ssyncset.done $0x0  }
0x3c: {  	[sflag:s26] =	ssyncadd.s32 $0xFFFF8000  }
0x3d: {  	_ =	swait.ge [sflag:s22], $0x200  }
0x3e: {  	[sflag:s22] =	ssyncset.done $0x0  }
0x3f: {  	[sflag:s22] =	ssyncadd.s32 $0xFFFFFE00  }
0x40: {  	[tilespmem:s23], [sflag:$0x4] =	stream.indirect.gather [hbm4b:s4+s18], $0x40, s18, s18, $0xb8;
	[tilespmem:$0x10400] =	vst v63  }
0x41: {  	s7 =	sadd.s32 $0x0, s15;
	_ =	swait.ge [sflag:s24], $0x8000  }
0x42: {  	s30 =	sadd.s32 $0x10000, s14;
	s31 =	sadd.s32 $0x2000, s0;
	[sflag:s24] =	ssyncset.done $0x0  }
0x43: {  	s29 =	simm.s32 $0x80;
	s16 =	smov.u32 s0;
	[sflag:s24] =	ssyncadd.s32 $0xFFFF8000  }
0x44: {  	[tilespmem:s18], [sflag:$0x2] =	stream.linear.gather [hbm4b:s7+s3], $0x200, $0x38;
	[tilespmem:$0x10400] =	vst v63  }
.LBB2_2:
0x45: {  	[hbm4b:s16+s3] =	stream.linear.scatter [tilespmem:s23], [sflag:$0x6], $0x8000, $0x38;
	[tilespmem:$0x10400] =	vst v63  }
0x46: {  	s1 =	smov.u32 s29;
	s16 =	smov.u32 s31  }
0x47: {  	p0 =	sne.s32 s29, $0xB00;
	s29 =	sadd.s32 $0x80, s29;
	_ =	swait.ge [sflag:s25], $0x8000  }
0x48: {  	[sflag:s25] =	ssyncset.done $0x0  }
0x49: {  	[sflag:s25] =	ssyncadd.s32 $0xFFFF8000  }
0x4a: {  	_ =	swait.ge [sflag:s19], $0x200  }
0x4b: {  	[sflag:s19] =	ssyncset.done $0x0  }
0x4c: {  	[sflag:s19] =	ssyncadd.s32 $0xFFFFFE00  }
0x4d: {  	[tilespmem:s20], [sflag:$0x3] =	stream.indirect.gather [hbm4b:s4+s18], $0x40, s3, s18, $0xb8;
	[tilespmem:$0x10400] =	vst v63  }
0x4e: {  	_ =	swait.ge [sflag:s21], $0x8000  }
0x4f: {  	[sflag:s21] =	ssyncset.done $0x0  }
0x50: {  	s7 =	sshrl.u32 s30, $0x3;
	s6 =	sadd.s32 s1, s17;
	[sflag:s21] =	ssyncadd.s32 $0xFFFF8000  }
0x51: {  	[tilespmem:s3], [sflag:$0x1] =	stream.linear.gather [hbm4b:s6+s3], $0x200, $0x38;
	[tilespmem:$0x10400] =	vst v63  }
0x52: {  	s6 =	sadd.s32 s2, s7  }
0x53: {  	[hbm4b:s6+s3] =	stream.linear.scatter [tilespmem:s20], [sflag:$0x5], $0x8000, $0x38;
	[tilespmem:$0x10400] =	vst v63  }
0x54: {  	_ =	swait.ge [sflag:s26], $0x8000  }
0x55: {  	[sflag:s26] =	ssyncset.done $0x0  }
0x56: {  	[sflag:s26] =	ssyncadd.s32 $0xFFFF8000  }
0x57: {  	_ =	swait.ge [sflag:s22], $0x200  }
0x58: {  	[sflag:s22] =	ssyncset.done $0x0  }
0x59: {  	[sflag:s22] =	ssyncadd.s32 $0xFFFFFE00  }
0x5a: {  	[tilespmem:s23], [sflag:$0x4] =	stream.indirect.gather [hbm4b:s4+s18], $0x40, s18, s18, $0xb8;
	[tilespmem:$0x10400] =	vst v63  }
.Ltmp0:
0x5b: {  	_ =	swait.ge [sflag:s24], $0x8000;
	(pc) =	sbr.rel @p0 .LBB2_2-.Ltmp0, $4  }
0x5c: {  	[sflag:s24] =	ssyncset.done $0x0  }
0x5d: {  	s1 =	sadd.s32 s1, s15;
	[sflag:s24] =	ssyncadd.s32 $0xFFFF8000  }
0x5e: {  	[tilespmem:s18], [sflag:$0x2] =	stream.linear.gather [hbm4b:s1+s3], $0x200, $0x38;
	[tilespmem:$0x10400] =	vst v63  }
0x5f: {  	s30 =	sadd.s32 $0x10000, s30;
	s31 =	sadd.s32 $0x2000, s31  }
0x60: {  	[hbm4b:s16+s3] =	stream.linear.scatter [tilespmem:s23], [sflag:$0x6], $0x8000, $0x38;
	[tilespmem:$0x10400] =	vst v63  }
0x61: {  	_ =	swait.ge [sflag:s25], $0x8000  }
0x62: {  	[sflag:s25] =	ssyncset.done $0x0  }
0x63: {  	[sflag:s25] =	ssyncadd.s32 $0xFFFF8000  }
0x64: {  	_ =	swait.ge [sflag:s19], $0x200  }
0x65: {  	[sflag:s19] =	ssyncset.done $0x0  }
0x66: {  	[sflag:s19] =	ssyncadd.s32 $0xFFFFFE00  }
0x67: {  	[tilespmem:s20], [sflag:$0x3] =	stream.indirect.gather [hbm4b:s4+s18], $0x40, s3, s18, $0xb8;
	[tilespmem:$0x10400] =	vst v63  }
0x68: {  	_ =	swait.ge [sflag:s21], $0x8000  }
0x69: {  	[sflag:s21] =	ssyncset.done $0x0  }
0x6a: {  	[sflag:s21] =	ssyncadd.s32 $0xFFFF8000  }
0x6b: {  	[hbm4b:s12+s3] =	stream.linear.scatter [tilespmem:s20], [sflag:$0x5], $0x8000, $0x38;
	[tilespmem:$0x10400] =	vst v63  }
0x6c: {  	_ =	swait.ge [sflag:s26], $0x8000  }
0x6d: {  	[sflag:s26] =	ssyncset.done $0x0  }
0x6e: {  	[sflag:s26] =	ssyncadd.s32 $0xFFFF8000  }
0x6f: {  	_ =	swait.ge [sflag:s22], $0x200  }
0x70: {  	[sflag:s22] =	ssyncset.done $0x0  }
0x71: {  	[sflag:s22] =	ssyncadd.s32 $0xFFFFFE00  }
0x72: {  	[tilespmem:s23], [sflag:$0x4] =	stream.indirect.gather [hbm4b:s4+s18], $0x40, s18, s18, $0xb8;
	[tilespmem:$0x10400] =	vst v63  }
0x73: {  	_ =	swait.ge [sflag:s24], $0x8000  }
0x74: {  	[sflag:s24] =	ssyncset.done $0x0  }
0x75: {  	[sflag:s24] =	ssyncadd.s32 $0xFFFF8000  }
0x76: {  	[hbm4b:s13+s3] =	stream.linear.scatter [tilespmem:s23], [sflag:$0x6], $0x8000, $0x38;
	[tilespmem:$0x10400] =	vst v63  }
0x77: {  	_ =	swait.ge [sflag:s25], $0x8000  }
0x78: {  	[sflag:s25] =	ssyncset.done $0x0  }
0x79: {  	[sflag:s25] =	ssyncadd.s32 $0xFFFF8000  }
0x7a: {  	_ =	swait.ge [sflag:s26], $0x8000  }
0x7b: {  	s28 =	sadd.s32 $0x1, s28;
	s1 =	rddreg [dreg:$0x4]  }
0x7c: {  	p0 =	sne.s32 s28, s1  }
.Ltmp1:
0x7d: {  	_ = 	snop;
	(pc) =	sbr.rel @p0 .LBB2_1-.Ltmp1, $3  }
0x7e: {  	_ =	sdelay $0x1  }
0x7f: {  	[sflag:s26] =	ssyncset.done $0x0  }
0x80: {  	[sflag:s26] =	ssyncadd.s32 $0xFFFF8000  }
0x81: {  	_ =	sfence.sel $0x180000  }
0x82: {  	[bflag:$0x0] =	sbarrier.arrive $0xFFFF  }
0x83: {  	_ =	strace $0x90000047  }
0x84: {  	s0 =	stileid.u32;
	[bflag:$0x2] =	sbarrier.arrive $0xFFFF  }
0x85: {  	p0 =	sne.s32 s0, $0x0;
	s0 =	rddreg [dreg:$0x2]  }
0x86: {  	s0 =	sadd.s32 @!p0 $0x100000, s0  }
0x87: {  	[sflag:s0] =	ssyncadd.tile.s32 @!p0 $0x1;
	_ =	shalt  }
.Lfunc_end2:
_tile_overlayer_lowered:
.L_overlay_start_2:
0x88: {  	(tag) =	ssettag $0x2  }
0x89: {  	s0 =	rddreg [dreg:$0x0];
	s2 =	stileid.u32  }
0x8a: {  	s1 =	rddreg [dreg:$0x1];
	p0 =	sne.s32 s2, $0x0  }
0x8b: {  	s3 =	rddreg [dreg:$0x2];
	[bflag:$0x3] =	sbarrier.arrive $0xFFFF;
	s2 =	simm.s32 @!p0 $0x1C07  }
0x8c: {  	[timem:s3], [sflag:s2] =	dma.local @!p0 [hbm:s0], s1  }
0x8d: {  	s0 =	simm.s32 @!p0 $0x7  }
0x8e: {  	_ =	swait.ge @!p0 [sflag:s0], s1  }
0x8f: {  	s1 =	ssub.s32 @!p0 $0x0, s1;
	[sflag:s0] =	ssyncset.done @!p0 $0x0  }
0x90: {  	[sflag:s0] =	ssyncadd.s32 @!p0 s1  }
0x91: {  	[bflag:$0x3] =	sbarrier.arrive $0xFFFF  }
0x92: {  	_ =	shalt  }

// kernel: sparse-core-data-format-call.cloned.1.call-start
scs
called_computation_lowered:
.L_overlay_start_0:
0x0: {  	s2 =	sld [smem:$0x3FD9]  }
0x1: {  	s3 =	sld [smem:$0x3FFE];
	_ =	sdelay $0x1  }
0x2: {  	s1 =	srdreg.scid  }
0x3: {  	s0 =	sand.u32 $0x1, s1  }
0x4: {  	s18 =	sshll.u32 s0, $0xA;
	s2 =	sadd.s32 s3, s2  }
0x5: {  	s2 =	sadd.s32 s2, s18  }
0x6: {  	[smem:$0x3FC6] =	sst s2  }
0x7: {  	_ = 	snop  }
0x8: {  	s2 =	sld [smem:$0x3FD0];
	(tm) =	ssettm $0x1  }
0x9: {  	s19 =	sld [smem:$0x3FFB];
	_ =	sdelay $0x3  }
0xa: {  	_ =	strace s19  }
0xb: {  	s3 =	sld [smem:$0x3FFC];
	_ =	sdelay $0x3  }
0xc: {  	_ =	strace s3  }
0xd: {  	s3 =	sld [smem:$0x3FFD];
	_ =	sdelay $0x3  }
0xe: {  	_ =	strace s3  }
0xf: {  	_ =	strace $0x8FFFFFFF  }
0x10: {  	s20 =	sld [smem:$0x3FDB];
	_ =	sdelay $0x1  }
0x11: {  	s4 =	simm.s32 $_scs_section_size  }
0x12: {  	s5 =	simm.s32 $_size__tile_overlayer_lowered;
	s6 =	simm.s32 $_tile_overlayer_lowered  }
0x13: {  	s23 =	simm.s32 $0x1BFF;
	s22 =	sshll.u32 s6, $0x1;
	s3 =	sadd.s32 s4, s20  }
0x14: {  	s7 =	simm.s32 $0x0;
	s21 =	sshll.u32 s5, $0x1;
	s5 =	sadd.s32 s22, s3  }
0x15: {  	[timem:s7], [sflag:s23] =	dma.local [hbm:s5], s21  }
0x16: {  	_ =	swait.ge [sflag:s23], s21  }
0x17: {  	s4 =	ssub.s32 $0x0, s21;
	[sflag:s23] =	ssyncset.done $0x0  }
0x18: {  	[sflag:s23] =	ssyncadd.s32 s4;
	_ =	sdelay $0x1  }
0x19: {  	s24 =	simm.s32 $0x1B8B  }
0x1a: {  	_ =	swait.ge [sflag:s24], $0x1  }
0x1b: {  	[sflag:s24] =	ssyncset.done $0x0  }
0x1c: {  	s26 =	simm.s32 $0x1B8E;
	s25 =	sld [smem:$0x3FFE];
	[sflag:s24] =	ssyncadd.s32 $0xFFFFFFFF  }
0x1d: {  	s27 =	simm.s32 $execute0_lowered;
	[smem:$0x3FD2] =	sst s26  }
0x1e: {  	s5 =	sshll.u32 s27, $0x1;
	_ =	strace $0x80000049;
	[dreg:$0x1] =	wrdreg $0xFFFFFFFF  }
0x1f: {  	s28 =	simm.s32 $_size_execute0_lowered;
	s3 =	sadd.s32 s3, s5;
	[dreg:$0x0] =	wrdreg $0x0  }
0x20: {  	s5 =	sshll.u32 s28, $0x1;
	[dreg:$0x2] =	wrdreg s3  }
0x21: {  	[dreg:$0x3] =	wrdreg s5  }
0x22: {  	[dreg:$0x4] =	wrdreg $0xC0  }
0x23: {  	_ =	task [dreg:s7], $0x5FFFF  }
0x24: {  	[dreg:$0x1] =	wrdreg $0xFFFFFFFF  }
0x25: {  	[dreg:$0x0] =	wrdreg $0x60  }
0x26: {  	[dreg:$0x2] =	wrdreg s25  }
0x27: {  	[dreg:$0x3] =	wrdreg s2  }
0x28: {  	[dreg:$0x4] =	wrdreg $0x9  }
0x29: {  	_ =	task.clear_ibuf [dreg:s7], $0x5FFFF;
	_ =	strace $0x90000049  }
0x2a: {  	s29 =	simm.s32 $0x9;
	_ =	strace $0x8000004B  }
0x2b: {  	_ =	swait.ge [sflag:s29], $0x1  }
0x2c: {  	[sflag:s29] =	ssyncadd.s32 $0xFFFFFFFF  }
0x2d: {  	_ =	strace $0x9000004B  }
0x2e: {  	_ =	sfence  }
0x2f: {  	s30 =	sld [smem:$0x0];
	_ =	sdelay $0x2  }
0x30: {  	s31 =	sshll.u32 s1, $0xD;
	s1 =	sshrl.u32 s1, $0x2  }
0x31: {  	s3 =	sand.u32 $0x4000, s31;
	s1 =	sadd.s32 s1, s30  }
0x32: {  	s0 =	sor.u32 s3, s0;
	s1 =	sshll.u32 s1, $0x11  }
0x33: {  	s0 =	sor.u32 s1, s0  }
0x34: {  	s0 =	sadd.s32 $0x8F2B, s0  }
0x35: {  	[sflag:s0] =	ssyncadd.remote.s32 $0x1  }
0x36: {  	_ =	sfence.sel $0xFFFF  }
0x37: {  	[dreg:$0x0] =	wrdreg $0xFFFFFFFF;
	(pc) =	sbr.abs _section_cstart, $3  }
0x38: {  	[dreg:$0x1] =	wrdreg $0xFFFFFFFF  }
0x39: {  	_ =	task.clear_ibuf [dreg:s7], $0x2FFFF;
	_ =	strace $0x9FFFFFFF  }
0x3a: {  	(tm) =	ssettm $0x7FFFFFFF  }
0x3b: {  	_ =	shalt  }
tec
execute0_lowered:
.L_overlay_start_1:
0x0: {  	(tag) =	ssettag $0x1  }
0x1: {  	s0 =	srdreg.scid  }
0x2: {  	s1 =	sshll.u32 s0, $0x4  }
0x3: {  	s0 =	stileid.u32;
	s1 =	sand.u32 $0x10, s1  }
0x4: {  	s1 =	sor.u32 s0, s1  }
0x5: {  	s6 =	rddreg [dreg:$0x0];
	s4 =	simm.s32 $0x1;
	s2 =	sshll.u32 s1, $0x7  }
0x6: {  	s7 =	simm.s32 $0x2;
	s12 =	simm.s32 $0x0;
	s1 =	ssub.s32 $0x1000, s2  }
0x7: {  	s8 =	simm.s32 $0x8000;
	s13 =	simm.s32 $0x0;
	s3 =	sand.u32 $0xF80, s1  }
0x8: {  	s9 =	simm.s32 $0x0;
	s5 =	sshrl.u32 s1, $0xC;
	p0 =	sne.s32 s3, $0x0  }
.Ltmp0:
0x9: {  	s1 =	rddreg [dreg:$0x2];
	s4 =	simm.s32 @!p0 $0x0;
	(pc) =	sbr.rel .LBB1_1-.Ltmp0, $4  }
0xa: {  	s11 =	simm.s32 $0x0;
	s3 =	rddreg [dreg:$0x1];
	s5 =	sadd.s32 s4, s5  }
0xb: {  	_ =	strace $0x8000004A;
	s4 =	simm.s32 $0x1;
	s5 =	smul.u32 $0xC8, s5  }
0xc: {  	s6 =	sadd.s32 $0xA00, s6;
	s10 =	smov.u32 s2;
	[sflag:s4] =	ssyncpa.u1 $0x0  }
0xd: {  	p0 =	por $0x0, $0x0;
	[sflag:s7] =	ssyncpa.u1 $0x0;
	s7 =	sor.u32 $0x1, s5  }
.LBB1_4:
0xe: {  	s16 =	sshll.u32 s13, $0x3;
	s17 =	sand.u32 $0x78, s13  }
0xf: {  	s30 =	sand.u32 $0x7E00, s13;
	s12 =	sshll.u32 s12, $0xF;
	s16 =	sand.u32 $0xC00, s16  }
0x10: {  	[tilespmem:s15+$0x810 ss:$0x81] =	vst.msk $0xffff, v2;
	s31 =	sand.u32 $0x7, s13;
	s16 =	sor.u32 s17, s16;
	s17 =	sadd.s32 s3, s30  }
0x11: {  	[tilespmem:s15+$0x1020 ss:$0x81] =	vst.msk $0xffff, v0;
	s13 =	sshll.u32 s31, $0x12;
	s12 =	sadd.s32 s12, s17;
	s16 =	sshrl.u32 s16, $0x3  }
0x12: {  	[tilespmem:s15+$0x0 ss:$0x81] =	vst.msk $0xffff, v1;
	s13 =	sor.u32 $0x400, s13;
	s12 =	sadd.s32 s16, s12  }
0x13: {  	[hbm4b:s12+s13] =	stream.strided.scatter [tilespmem:s14], [sflag:$0x2], $0x2000, s8, s13, $0x20;
	[tilespmem:$0x8080] =	vst v63  }
.LBB1_5:
0x14: {  	s14 =	sadd.s32 $0x1, s9  }
0x15: {  	s12 =	sadd.s32 $0x1000, s10;
	s16 =	smov.u32 s10;
	p2 =	sgt.s32 s14, $0xC7  }
0x16: {  	s16 =	smov.u32 @p2 s12  }
0x17: {  	s14 =	simm.s32 @p2 $0x0;
	p2 =	sgt.s32 s16, $0xFFF  }
0x18: {  	s16 =	smov.u32 @p2 s2;
	p2 =	sne.s32 s11, s7  }
.Ltmp1:
0x19: {  	p1 =	slt.u32 s11, $0x2;
	(pc) =	sbr.rel @!p2 .LBB1_6-.Ltmp1, $4  }
0x1a: {  	s15 =	simm.s32 @!p1 $0x2  }
0x1b: {  	s13 =	smov.u32 s10;
	p0 =	por !p0, !p0;
	_ =	swait.ge @!p1 [sflag:s15], $0x2000  }
0x1c: {  	s12 =	smov.u32 s9;
	[sflag:s15] =	ssyncset.done @!p1 $0x0;
	s9 =	smov.u32 s14  }
0x1d: {  	s11 =	sadd.s32 $0x1, s11;
	[sflag:s15] =	ssyncadd.s32 @!p1 $0xFFFFE000;
	s10 =	smov.u32 s16  }
.LBB1_1:
0x1e: {  	p1 =	sge.u32 s11, s5  }
0x1f: {  	s14 =	sand.u32 @!p1 $0x1FFFFFF, s9  }
0x20: {  	s15 =	smulhi.u32 @!p1 $0x147AE15, s14;
	_ =	sdelay $0x1  }
0x21: {  	s15 =	smul.u32 @!p1 $0xC8, s15  }
0x22: {  	s16 =	sxor.u32 @!p1 $0xFFFFFFFF, s11;
	s17 =	smul.u32 @!p1 $0xC80, s10  }
0x23: {  	s31 =	sadd.s32 $0xFFFFFFFF, s11;
	s16 =	sshll.u32 @!p1 s16, $0xD;
	s14 =	ssub.s32 @!p1 s14, s15  }
0x24: {  	s15 =	sand.u32 @!p1 $0x2000, s16;
	s16 =	sadd.s32 @!p1 s6, s17;
	s14 =	sshll.u32 @!p1 s14, $0x4  }
0x25: {  	s17 =	simm.s32 @!p1 $0x6400;
	s14 =	sadd.s32 @!p1 s14, s16;
	s16 =	simm.s32 @!p1 $0x40  }
0x26: {  	[tilespmem:s15], [sflag:$0x1] =	stream.strided.gather @!p1 [hbm4b:s14+s16], $0x2000, s17, s16, $0x38;
	[tilespmem:$0x8080] =	vst v63  }
0x27: {  	p1 =	sge.u32 s31, s5  }
.Ltmp2:
0x28: {  	_ = 	snop;
	(pc) =	sbr.rel @p1 .LBB1_5-.Ltmp2, $1  }
0x29: {  	_ =	sdelay $0x3  }
0x2a: {  	s14 =	simm.s32 $0x1  }
0x2b: {  	_ =	swait.ge [sflag:s4], $0x2000;
	s14 =	simm.s32 @!p0 $0x0  }
0x2c: {  	[sflag:s4] =	ssyncset.done $0x0;
	s15 =	sshll.u32 s14, $0xD  }
0x2d: {  	[sflag:s4] =	ssyncadd.s32 $0xFFFFE000;
	s18 =	sor.u32 $0x20, s15  }
0x2e: {  	s14 =	smul.u32 $0x8100, s14;
	v3 =	vld [tilespmem:s18+$0x10]  }
0x2f: {  	s30 =	sand.u32 $0x1, s11;
	v2 =	vld [tilespmem:s18+$0xFFFFFFF0]  }
0x30: {  	s15 =	smul.u32 $0x8100, s30;
	s14 =	sshrl.u32 s14, $0x2;
	v0 =	vld [tilespmem:s18+$0x0]  }
0x31: {  	v1 =	vld [tilespmem:s18+$0xFFFFFFE0];
	s16 =	sor.u32 $0x4000, s14  }
0x32: {  	s31 =	sshrl.u32 s15, $0x2;
	s15 =	sadd.s32 $0x0, s16  }
0x33: {  	s17 =	simm.s32 $0x4;
	s18 =	sadd.s32 $0x40, s18;
	s14 =	sor.u32 $0x4000, s31;
	[tilespmem:s15+$0x1830 ss:$0x81] =	vst.msk $0xffff, v3  }
.LBB1_3:
0x34: {  	v3 =	vld [tilespmem:s18+$0x10];
	p1 =	sne.s32 s17, $0x1FC;
	[tilespmem:s15+$0x810 ss:$0x81] =	vst.msk $0xffff, v2;
	s19 =	smov.u32 s17;
	s17 =	sadd.s32 $0x4, s17  }
.Ltmp3:
0x35: {  	v2 =	vld [tilespmem:s18+$0xFFFFFFF0];
	[tilespmem:s15+$0x1020 ss:$0x81] =	vst.msk $0xffff, v0;
	(pc) =	sbr.rel @p1 .LBB1_3-.Ltmp3, $4  }
0x36: {  	v0 =	vld [tilespmem:s18+$0x0];
	[tilespmem:s15+$0x0 ss:$0x81] =	vst.msk $0xffff, v1  }
0x37: {  	s15 =	sshra.s32 s19, $0x2;
	v1 =	vld [tilespmem:s18+$0xFFFFFFE0]  }
0x38: {  	s15 =	sadd.s32 s15, s16  }
0x39: {  	s18 =	sadd.s32 $0x40, s18;
	[tilespmem:s15+$0x1830 ss:$0x81] =	vst.msk $0xffff, v3  }
.Ltmp4:
0x3a: {  	_ = 	snop;
	(pc) =	sbr.rel .LBB1_4-.Ltmp4, $1  }
0x3b: {  	_ =	sdelay $0x3  }
.LBB1_6:
0x3c: {  	_ =	sfence.sel $0x180000  }
0x3d: {  	s2 =	simm.s32 $0x1;
	[bflag:$0x0] =	sbarrier.arrive $0xFFFF  }
0x3e: {  	s31 =	simm.s32 $0x2;
	[sflag:s2] =	ssyncpa.u1 $0x1  }
0x3f: {  	[sflag:s31] =	ssyncpa.u1 $0x1  }
0x40: {  	p0 =	sne.s32 s0, $0x0;
	_ =	strace $0x9000004A  }
0x41: {  	s0 =	sadd.s32 @!p0 $0x100000, s1;
	[bflag:$0x2] =	sbarrier.arrive $0xFFFF  }
0x42: {  	[sflag:s0] =	ssyncadd.tile.s32 @!p0 $0x1;
	_ =	shalt  }
.Lfunc_end1:
_tile_overlayer_lowered:
.L_overlay_start_2:
0x43: {  	(tag) =	ssettag $0x2  }
0x44: {  	s0 =	rddreg [dreg:$0x0];
	s2 =	stileid.u32  }
0x45: {  	s1 =	rddreg [dreg:$0x1];
	p0 =	sne.s32 s2, $0x0  }
0x46: {  	s3 =	rddreg [dreg:$0x2];
	[bflag:$0x3] =	sbarrier.arrive $0xFFFF;
	s2 =	simm.s32 @!p0 $0x1C01  }
0x47: {  	[timem:s3], [sflag:s2] =	dma.local @!p0 [hbm:s0], s1  }
0x48: {  	s0 =	simm.s32 @!p0 $0x1  }
0x49: {  	_ =	swait.ge @!p0 [sflag:s0], s1  }
0x4a: {  	s1 =	ssub.s32 @!p0 $0x0, s1;
	[sflag:s0] =	ssyncset.done @!p0 $0x0  }
0x4b: {  	[sflag:s0] =	ssyncadd.s32 @!p0 s1  }
0x4c: {  	[bflag:$0x3] =	sbarrier.arrive $0xFFFF  }
0x4d: {  	_ =	shalt  }

</sc_bundles>
